<compile_context>
chip_gen: v7x
topology: tpu7x:2x2x1
jax: 0.10.2.dev20260603
libtpu: 0.0.44.dev20260713+nightly
codegen_flags: <defaults>
</compile_context>

<pallas_src>
import functools

import jax
import jax.numpy as jnp
from jax import lax
from jax.experimental import pallas as pl
from jax.experimental.pallas import tpu as pltpu
from jax.experimental.pallas import tpu_sc as plsc

VOCAB = 1000000
MAX_POS = 8192
DIM = 64
BATCH = 4
SEQ = 2048

_NC = 2
_NS = 16
_NW = _NC * _NS
_N = BATCH * SEQ
_BPW = _N // _NW
_LANES = 16


def _embed_kernel(idx_hbm, table_hbm, pos_hbm, out_hbm, idx_v, rows_v, pos_v,
                  gsem):
    wid = lax.axis_index("s") * _NC + lax.axis_index("c")
    base = wid * _BPW
    pltpu.sync_copy(idx_hbm.at[pl.ds(base, _BPW)], idx_v)
    gather = pltpu.async_copy(table_hbm.at[idx_v], rows_v, gsem)
    s0 = lax.rem(base, SEQ)
    pltpu.sync_copy(pos_hbm.at[pl.ds(s0, _BPW)], pos_v)
    gather.wait()

    def row_body(i, _):
        for j in range(DIM // _LANES):
            sl = (i, pl.ds(j * _LANES, _LANES))
            rows_v[sl] = rows_v[sl] + pos_v[sl]
        return 0

    lax.fori_loop(0, _BPW, row_body, 0)
    pltpu.sync_copy(rows_v, out_hbm.at[pl.ds(base, _BPW)])


def kernel(input_text, token_table, pos_table):
    idx = input_text.reshape(_N).astype(jnp.int32)
    mesh = plsc.VectorSubcoreMesh(core_axis_name="c", subcore_axis_name="s")
    run = functools.partial(
        pl.kernel,
        mesh=mesh,
        compiler_params=pltpu.CompilerParams(use_tc_tiling_on_sc=False),
        out_type=jax.ShapeDtypeStruct((_N, DIM), jnp.float32),
        scratch_types=[
            pltpu.VMEM((_BPW,), jnp.int32),
            pltpu.VMEM((_BPW, DIM), jnp.float32),
            pltpu.VMEM((_BPW, DIM), jnp.float32),
            pltpu.SemaphoreType.DMA,
        ],
    )(_embed_kernel)
    out = run(idx, token_table, pos_table)
    return out.reshape(BATCH, SEQ, DIM)

# --- scband reference (transcript-rebuilt; emitter-appended) ---
"""Pipeline reference for scband-embedding-83030307766438 (READ-ONLY COPY).

The authoritative reference and input builder live on the scoring server;
editing this copy changes nothing except your own understanding.
"""

import jax, jax.numpy as jnp
import numpy as np

VOCAB = 1000000
MAX_POS = 8192
DIM = 64
BATCH = 4
SEQ = 2048

def setup_inputs(seed: int = 0) -> dict:
    key = jax.random.key(seed)
    k1, k2, k3 = jax.random.split(key, 3)
    input_text = jax.random.randint(k1, (BATCH, SEQ), 0, VOCAB, dtype=jnp.int64 if jax.config.jax_enable_x64 else jnp.int32)
    token_table = jax.random.normal(k2, (VOCAB, DIM), dtype=jnp.float32) * 0.02
    pos_table = jax.random.normal(k3, (MAX_POS, DIM), dtype=jnp.float32) * 0.02
    return {"input_text": input_text, "token_table": token_table, "pos_table": pos_table}

def reference(input_text, token_table, pos_table):
    seq_len = input_text.shape[1]
    position_ids = jnp.arange(0, seq_len, dtype=input_text.dtype)
    position_ids = jnp.broadcast_to(position_ids[None, :], input_text.shape)
    position_embeddings = jnp.take(pos_table, position_ids, axis=0)
    token_embeddings = jnp.take(token_table, input_text, axis=0)
    return token_embeddings + position_embeddings

if __name__ == "__main__":
    import jax
    _d = setup_inputs()
    print(jax.jit(kernel)(*tuple(_d.values())))

</pallas_src>

<mosaic_0001>
#map = affine_map<(d0, d1) -> (0)>
#map1 = affine_map<(d0, d1) -> (0, 0)>
module attributes {stable_mosaic.version = 14 : i64} {
  func.func @_embed_kernel(%arg0: i32, %arg1: i32, %arg2: memref<8192xi32, #tpu.memory_space<hbm>>, %arg3: memref<1000000x64xf32, #tpu.memory_space<hbm>>, %arg4: memref<8192x64xf32, #tpu.memory_space<hbm>>, %arg5: memref<8192x64xf32, #tpu.memory_space<hbm>>, %arg6: memref<256xi32, #tpu.memory_space<vmem>>, %arg7: memref<256x64xf32, #tpu.memory_space<vmem>>, %arg8: memref<256x64xf32, #tpu.memory_space<vmem>>, %arg9: memref<!tpu.dma_semaphore, #tpu.memory_space<semaphore_mem>>) attributes {dimension_semantics = [#tpu.dimension_semantics<core_parallel>, #tpu.dimension_semantics<subcore_parallel>], iteration_bounds = array<i64: 2, 16>, scalar_prefetch = 0 : i64, scratch_operands = 4 : i64, tpu.core_type = #tpu.core_type<sc_vector_subcore>, window_params = [{transform_indices = #map}, {transform_indices = #map1}, {transform_indices = #map1}, {transform_indices = #map1}]} {
    %mul3A = arith.constant 2 : i32
    %mul3A_0 = arith.muli %arg1, %mul3A : i32
    %add3A = arith.addi %mul3A_0, %arg0 : i32
    %mul3A_1 = arith.constant 256 : i32
    %mul3A_2 = arith.muli %add3A, %mul3A_1 : i32
    "tpu.region"() ({
      %run_scoped3A = tpu.sem_alloc : memref<!tpu.dma_semaphore, #tpu.memory_space<semaphore_mem>>
      %dma_start3A_14 = tpu.memref_slice %arg2[%mul3A_2] : memref<8192xi32, #tpu.memory_space<hbm>> -> memref<256xi32, #tpu.memory_space<hbm>>
      %dma_start3A_15 = tpu.memref_slice %arg2[%mul3A_2] : memref<8192xi32, #tpu.memory_space<hbm>> -> memref<256xi32, #tpu.memory_space<hbm>>
      tpu.enqueue_dma source(%dma_start3A_15 : memref<256xi32, #tpu.memory_space<hbm>>) target(%arg6 : memref<256xi32, #tpu.memory_space<vmem>>) target_semaphore(%run_scoped3A : memref<!tpu.dma_semaphore, #tpu.memory_space<semaphore_mem>>)
      %dma_wait3A_16 = tpu.memref_slice %arg2[%mul3A_2] : memref<8192xi32, #tpu.memory_space<hbm>> -> memref<256xi32, #tpu.memory_space<hbm>>
      %dma_wait3A_17 = tpu.memref_slice %arg2[%mul3A_2] : memref<8192xi32, #tpu.memory_space<hbm>> -> memref<256xi32, #tpu.memory_space<hbm>>
      tpu.wait_dma2 semaphore(%run_scoped3A : memref<!tpu.dma_semaphore, #tpu.memory_space<semaphore_mem>>) src(%dma_wait3A_17 : memref<256xi32, #tpu.memory_space<hbm>>) dst(%arg6 : memref<256xi32, #tpu.memory_space<vmem>>)
      tpu.yield
    }) : () -> ()
    %dma_start3A = arith.constant 0 : i32
    %dma_start3A_3 = arith.constant 0 : i32
    %dma_start3A_4 = tpu.memref_slice %arg3[%dma_start3A, %dma_start3A_3] : memref<1000000x64xf32, #tpu.memory_space<hbm>> -> memref<1000000x64xf32, #tpu.memory_space<hbm>>
    tpu.enqueue_indirect_dma source(%dma_start3A_4 : memref<1000000x64xf32, #tpu.memory_space<hbm>>) target(%arg7 : memref<256x64xf32, #tpu.memory_space<vmem>>) offsets(%arg6 : memref<256xi32, #tpu.memory_space<vmem>>) semaphore(%arg9 : memref<!tpu.dma_semaphore, #tpu.memory_space<semaphore_mem>>)
    %rem3A = arith.constant 2048 : i32
    %rem3A_5 = arith.remsi %mul3A_2, %rem3A : i32
    "tpu.region"() ({
      %run_scoped3A = tpu.sem_alloc : memref<!tpu.dma_semaphore, #tpu.memory_space<semaphore_mem>>
      %dma_start3A_14 = arith.constant 0 : i32
      %dma_start3A_15 = tpu.memref_slice %arg4[%rem3A_5, %dma_start3A_14] : memref<8192x64xf32, #tpu.memory_space<hbm>> -> memref<256x64xf32, #tpu.memory_space<hbm>>
      %dma_start3A_16 = arith.constant 0 : i32
      %dma_start3A_17 = tpu.memref_slice %arg4[%rem3A_5, %dma_start3A_16] : memref<8192x64xf32, #tpu.memory_space<hbm>> -> memref<256x64xf32, #tpu.memory_space<hbm>>
      tpu.enqueue_dma source(%dma_start3A_17 : memref<256x64xf32, #tpu.memory_space<hbm>>) target(%arg8 : memref<256x64xf32, #tpu.memory_space<vmem>>) target_semaphore(%run_scoped3A : memref<!tpu.dma_semaphore, #tpu.memory_space<semaphore_mem>>)
      %dma_wait3A_18 = arith.constant 0 : i32
      %dma_wait3A_19 = tpu.memref_slice %arg4[%rem3A_5, %dma_wait3A_18] : memref<8192x64xf32, #tpu.memory_space<hbm>> -> memref<256x64xf32, #tpu.memory_space<hbm>>
      %dma_wait3A_20 = arith.constant 0 : i32
      %dma_wait3A_21 = tpu.memref_slice %arg4[%rem3A_5, %dma_wait3A_20] : memref<8192x64xf32, #tpu.memory_space<hbm>> -> memref<256x64xf32, #tpu.memory_space<hbm>>
      tpu.wait_dma2 semaphore(%run_scoped3A : memref<!tpu.dma_semaphore, #tpu.memory_space<semaphore_mem>>) src(%dma_wait3A_21 : memref<256x64xf32, #tpu.memory_space<hbm>>) dst(%arg8 : memref<256x64xf32, #tpu.memory_space<vmem>>)
      tpu.yield
    }) : () -> ()
    %dma_wait3A = arith.constant 0 : i32
    %dma_wait3A_6 = arith.constant 0 : i32
    %dma_wait3A_7 = tpu.memref_slice %arg3[%dma_wait3A, %dma_wait3A_6] : memref<1000000x64xf32, #tpu.memory_space<hbm>> -> memref<1000000x64xf32, #tpu.memory_space<hbm>>
    tpu.wait_indirect_dma semaphore(%arg9 : memref<!tpu.dma_semaphore, #tpu.memory_space<semaphore_mem>>) src(%dma_wait3A_7 : memref<1000000x64xf32, #tpu.memory_space<hbm>>) dst(%arg7 : memref<256x64xf32, #tpu.memory_space<vmem>>)
    %scan3A = arith.constant 0 : i32
    %scan3A_8 = arith.constant 0 : i32
    %scan3A_9 = arith.constant 256 : i32
    %scan3A_10 = arith.addi %scan3A_8, %scan3A_9 : i32
    %scan3A_11 = arith.constant 1 : i32
    %scan3A_12 = scf.for %scan3A_14 = %scan3A_8 to %scan3A_10 step %scan3A_11 iter_args(%scan3A_15 = %scan3A) -> (i32)  : i32 {
      %get3A = arith.index_cast %scan3A_14 : i32 to index
      %get3A_16 = arith.constant 0 : index
      %get3A_17 = tpu.vector_load %arg7[%get3A, %get3A_16] {strides = array<i32>} : memref<256x64xf32, #tpu.memory_space<vmem>>, vector<1x16xf32>,
      %get3A_18 = vector.shape_cast %get3A_17 : vector<1x16xf32> to vector<16xf32>
      %get3A_19 = arith.index_cast %scan3A_14 : i32 to index
      %get3A_20 = arith.constant 0 : index
      %get3A_21 = tpu.vector_load %arg8[%get3A_19, %get3A_20] {strides = array<i32>} : memref<256x64xf32, #tpu.memory_space<vmem>>, vector<1x16xf32>,
      %get3A_22 = vector.shape_cast %get3A_21 : vector<1x16xf32> to vector<16xf32>
      %add3A_23 = arith.addf %get3A_18, %get3A_22 : vector<16xf32>
      %swap3A = arith.index_cast %scan3A_14 : i32 to index
      %swap3A_24 = arith.constant 0 : index
      %swap3A_25 = tpu.vector_load %arg7[%swap3A, %swap3A_24] {strides = array<i32>} : memref<256x64xf32, #tpu.memory_space<vmem>>, vector<1x16xf32>,
      %swap3A_26 = vector.shape_cast %swap3A_25 : vector<1x16xf32> to vector<16xf32>
      %swap3A_27 = vector.shape_cast %add3A_23 : vector<16xf32> to vector<1x16xf32>
      tpu.vector_store %arg7[%swap3A, %swap3A_24], %swap3A_27 {strides = array<i32>} : memref<256x64xf32, #tpu.memory_space<vmem>>, vector<1x16xf32>,
      %get3A_28 = arith.index_cast %scan3A_14 : i32 to index
      %get3A_29 = arith.constant 16 : index
      %get3A_30 = tpu.vector_load %arg7[%get3A_28, %get3A_29] {strides = array<i32>} : memref<256x64xf32, #tpu.memory_space<vmem>>, vector<1x16xf32>,
      %get3A_31 = vector.shape_cast %get3A_30 : vector<1x16xf32> to vector<16xf32>
      %get3A_32 = arith.index_cast %scan3A_14 : i32 to index
      %get3A_33 = arith.constant 16 : index
      %get3A_34 = tpu.vector_load %arg8[%get3A_32, %get3A_33] {strides = array<i32>} : memref<256x64xf32, #tpu.memory_space<vmem>>, vector<1x16xf32>,
      %get3A_35 = vector.shape_cast %get3A_34 : vector<1x16xf32> to vector<16xf32>
      %add3A_36 = arith.addf %get3A_31, %get3A_35 : vector<16xf32>
      %swap3A_37 = arith.index_cast %scan3A_14 : i32 to index
      %swap3A_38 = arith.constant 16 : index
      %swap3A_39 = tpu.vector_load %arg7[%swap3A_37, %swap3A_38] {strides = array<i32>} : memref<256x64xf32, #tpu.memory_space<vmem>>, vector<1x16xf32>,
      %swap3A_40 = vector.shape_cast %swap3A_39 : vector<1x16xf32> to vector<16xf32>
      %swap3A_41 = vector.shape_cast %add3A_36 : vector<16xf32> to vector<1x16xf32>
      tpu.vector_store %arg7[%swap3A_37, %swap3A_38], %swap3A_41 {strides = array<i32>} : memref<256x64xf32, #tpu.memory_space<vmem>>, vector<1x16xf32>,
      %get3A_42 = arith.index_cast %scan3A_14 : i32 to index
      %get3A_43 = arith.constant 32 : index
      %get3A_44 = tpu.vector_load %arg7[%get3A_42, %get3A_43] {strides = array<i32>} : memref<256x64xf32, #tpu.memory_space<vmem>>, vector<1x16xf32>,
      %get3A_45 = vector.shape_cast %get3A_44 : vector<1x16xf32> to vector<16xf32>
      %get3A_46 = arith.index_cast %scan3A_14 : i32 to index
      %get3A_47 = arith.constant 32 : index
      %get3A_48 = tpu.vector_load %arg8[%get3A_46, %get3A_47] {strides = array<i32>} : memref<256x64xf32, #tpu.memory_space<vmem>>, vector<1x16xf32>,
      %get3A_49 = vector.shape_cast %get3A_48 : vector<1x16xf32> to vector<16xf32>
      %add3A_50 = arith.addf %get3A_45, %get3A_49 : vector<16xf32>
      %swap3A_51 = arith.index_cast %scan3A_14 : i32 to index
      %swap3A_52 = arith.constant 32 : index
      %swap3A_53 = tpu.vector_load %arg7[%swap3A_51, %swap3A_52] {strides = array<i32>} : memref<256x64xf32, #tpu.memory_space<vmem>>, vector<1x16xf32>,
      %swap3A_54 = vector.shape_cast %swap3A_53 : vector<1x16xf32> to vector<16xf32>
      %swap3A_55 = vector.shape_cast %add3A_50 : vector<16xf32> to vector<1x16xf32>
      tpu.vector_store %arg7[%swap3A_51, %swap3A_52], %swap3A_55 {strides = array<i32>} : memref<256x64xf32, #tpu.memory_space<vmem>>, vector<1x16xf32>,
      %get3A_56 = arith.index_cast %scan3A_14 : i32 to index
      %get3A_57 = arith.constant 48 : index
      %get3A_58 = tpu.vector_load %arg7[%get3A_56, %get3A_57] {strides = array<i32>} : memref<256x64xf32, #tpu.memory_space<vmem>>, vector<1x16xf32>,
      %get3A_59 = vector.shape_cast %get3A_58 : vector<1x16xf32> to vector<16xf32>
      %get3A_60 = arith.index_cast %scan3A_14 : i32 to index
      %get3A_61 = arith.constant 48 : index
      %get3A_62 = tpu.vector_load %arg8[%get3A_60, %get3A_61] {strides = array<i32>} : memref<256x64xf32, #tpu.memory_space<vmem>>, vector<1x16xf32>,
      %get3A_63 = vector.shape_cast %get3A_62 : vector<1x16xf32> to vector<16xf32>
      %add3A_64 = arith.addf %get3A_59, %get3A_63 : vector<16xf32>
      %swap3A_65 = arith.index_cast %scan3A_14 : i32 to index
      %swap3A_66 = arith.constant 48 : index
      %swap3A_67 = tpu.vector_load %arg7[%swap3A_65, %swap3A_66] {strides = array<i32>} : memref<256x64xf32, #tpu.memory_space<vmem>>, vector<1x16xf32>,
      %swap3A_68 = vector.shape_cast %swap3A_67 : vector<1x16xf32> to vector<16xf32>
      %swap3A_69 = vector.shape_cast %add3A_64 : vector<16xf32> to vector<1x16xf32>
      tpu.vector_store %arg7[%swap3A_65, %swap3A_66], %swap3A_69 {strides = array<i32>} : memref<256x64xf32, #tpu.memory_space<vmem>>, vector<1x16xf32>,
      %scan3A_70 = arith.constant 0 : i32
      scf.yield %scan3A_70 : i32
    }
    %scan3A_13 = arith.constant 256 : i32
    "tpu.region"() ({
      %run_scoped3A = tpu.sem_alloc : memref<!tpu.dma_semaphore, #tpu.memory_space<semaphore_mem>>
      %dma_start3A_14 = arith.constant 0 : i32
      %dma_start3A_15 = tpu.memref_slice %arg5[%mul3A_2, %dma_start3A_14] : memref<8192x64xf32, #tpu.memory_space<hbm>> -> memref<256x64xf32, #tpu.memory_space<hbm>>
      %dma_start3A_16 = arith.constant 0 : i32
      %dma_start3A_17 = tpu.memref_slice %arg5[%mul3A_2, %dma_start3A_16] : memref<8192x64xf32, #tpu.memory_space<hbm>> -> memref<256x64xf32, #tpu.memory_space<hbm>>
      tpu.enqueue_dma source(%arg7 : memref<256x64xf32, #tpu.memory_space<vmem>>) target(%dma_start3A_17 : memref<256x64xf32, #tpu.memory_space<hbm>>) target_semaphore(%run_scoped3A : memref<!tpu.dma_semaphore, #tpu.memory_space<semaphore_mem>>)
      %dma_wait3A_18 = arith.constant 0 : i32
      %dma_wait3A_19 = tpu.memref_slice %arg5[%mul3A_2, %dma_wait3A_18] : memref<8192x64xf32, #tpu.memory_space<hbm>> -> memref<256x64xf32, #tpu.memory_space<hbm>>
      %dma_wait3A_20 = arith.constant 0 : i32
      %dma_wait3A_21 = tpu.memref_slice %arg5[%mul3A_2, %dma_wait3A_20] : memref<8192x64xf32, #tpu.memory_space<hbm>> -> memref<256x64xf32, #tpu.memory_space<hbm>>
      tpu.wait_dma2 semaphore(%run_scoped3A : memref<!tpu.dma_semaphore, #tpu.memory_space<semaphore_mem>>) src(%arg7 : memref<256x64xf32, #tpu.memory_space<vmem>>) dst(%dma_wait3A_21 : memref<256x64xf32, #tpu.memory_space<hbm>>)
      tpu.yield
    }) : () -> ()
    return
  }
}

</mosaic_0001>

<sc_bundles>
// kernel: kernel.3.cloned.1.call-start
scs
__scs_entry_jumppad:
0x0: {  	(pc) =	sbr.rel $0x88, $3  }
0x1: {  	(tag) =	ssettag $0x0;
	lr =	simm.s32 $0x1  }
0x2: {  	[smem:$0x3F9E] =	sst lr;
	_ =	strace $0xD0000000  }
0x3: {  	_ = 	snop  }
0x4: {  	_ = 	snop  }
0x5: {  	_ = 	snop  }
0x6: {  	_ = 	snop  }
0x7: {  	_ = 	snop  }
__scs_overlays_trampoline_lowered:
0x8: {  	[smem:$0x3FAD] =	sst s0  }
0x9: {  	[smem:$0x3FAE] =	sst s1  }
0xa: {  	[smem:$0x3FAF] =	sst s2  }
0xb: {  	[smem:$0x3FB0] =	sst s3  }
0xc: {  	[smem:$0x3FB1] =	sst s4  }
0xd: {  	[smem:$0x3FB2] =	sst s5  }
0xe: {  	[smem:$0x3FB3] =	sst s6  }
0xf: {  	[smem:$0x3FB4] =	sst s7  }
0x10: {  	[smem:$0x3FB5] =	sst s8  }
0x11: {  	[smem:$0x3FB6] =	sst s9;
	s0 =	simm.s32 @!p0 $0x0  }
0x12: {  	s1 =	sld [smem:$0x3F9C];
	s0 =	simm.s32 @p0 $0x1  }
0x13: {  	[smem:$0x3FB7] =	sst s0;
	s0 =	simm.s32 @!p1 $0x0  }
0x14: {  	s2 =	sld [smem:$0x3F9B];
	s0 =	simm.s32 @p1 $0x1  }
0x15: {  	[smem:$0x3FB8] =	sst s0;
	s0 =	simm.s32 @!p2 $0x0  }
0x16: {  	s3 =	sld [smem:$0x3FDB];
	s0 =	simm.s32 @p2 $0x1  }
0x17: {  	s4 =	simm.s32 $0x1BF5;
	[smem:$0x3FBA] =	sst s0  }
0x18: {  	s0 =	sld [smem:$0x3F9D];
	_ =	swait.ge [sflag:s4], $0x0  }
0x19: {  	s7 =	sld [smem:$0x3F9E]  }
0x1a: {  	s8 =	sadd.s32 $0xFFFFE003, lr  }
0x1b: {  	s9 =	sadd.s32 $0xFFFFFEF7, lr;
	s5 =	simm.s32 $0xFFFFFFFF;
	p2 =	slt.u32 s8, $0xFFFFF086  }
0x1c: {  	p1 =	slt.u32 s9, $0xF7A;
	s5 =	simm.s32 @!p2 $0x0  }
0x1d: {  	s5 =	simm.s32 @p1 $0x1;
	p0 =	seq.s32 s7, s2  }
0x1e: {  	s7 =	smul.u32 @!p0 $0xF7A, s2;
	p2 =	seq.s32 @!p0 s5, $0x0  }
0x1f: {  	s9 =	smul.u32 $0xF7A, s1;
	s8 =	simm.s32 @!p0 $0x1BF5;
	p2 =	por !p2, p0  }
0x20: {  	[sflag:s8] =	ssyncset.s32 @!p0 $0xFFFFF086;
	s6 =	sadd.s32 @!p0 s3, s7;
	s7 =	simm.s32 @!p0 $0x108  }
0x21: {  	s3 =	sadd.s32 s3, s9;
	s6 =	sadd.s32 @!p0 $0x88, s6;
	s7 =	simm.s32 @p2 $0x1082  }
0x22: {  	[simem:s7], [sflag:s8] =	dma.local @!p0 [hbm:s6], $0xF7A  }
0x23: {  	s9 =	sor.u32 $0xD0000000, s2;
	s6 =	simm.s32 $0x108;
	_ =	swait.ge @!p0 [sflag:s8], $0x0  }
0x24: {  	s3 =	sadd.s32 $0x88, s3;
	s6 =	simm.s32 @!p1 $0x1082;
	[sflag:s4] =	ssyncset.s32 $0xFFFFF086  }
0x25: {  	[simem:s6], [sflag:s4] =	dma.local [hbm:s3], $0xF7A  }
0x26: {  	[smem:$0x3F9E] =	sst s1;
	(tag) =	ssettag s2;
	_ =	strace s9  }
0x27: {  	s1 =	sld [smem:$0x3FAE]  }
0x28: {  	s2 =	sld [smem:$0x3FAF]  }
0x29: {  	s4 =	sld [smem:$0x3FB1]  }
0x2a: {  	p0 =	seq.s32 s5, $0x0;
	s5 =	sld [smem:$0x3FB2]  }
0x2b: {  	s6 =	sld [smem:$0x3FB3]  }
0x2c: {  	s7 =	sld [smem:$0x3FB4]  }
0x2d: {  	s3 =	simm.s32 $0x108;
	s8 =	sld [smem:$0x3FB5]  }
0x2e: {  	s3 =	simm.s32 @!p0 $0x1082;
	s9 =	sld [smem:$0x3FB6]  }
0x2f: {  	lr =	sadd.s32 s0, s3;
	s0 =	sld [smem:$0x3FAD]  }
0x30: {  	s3 =	sld [smem:$0x3FB0]  }
0x31: {  	[smem:$0x3FB9] =	sst s10  }
0x32: {  	s10 =	sld [smem:$0x3FB7];
	_ =	sdelay $0x3  }
0x33: {  	p0 =	seq.s32 s10, $0x1;
	s10 =	sld [smem:$0x3FB9];
	_ =	sdelay $0x3  }
0x34: {  	[smem:$0x3FB9] =	sst s10  }
0x35: {  	s10 =	sld [smem:$0x3FB8];
	_ =	sdelay $0x3  }
0x36: {  	p1 =	seq.s32 s10, $0x1;
	s10 =	sld [smem:$0x3FB9];
	_ =	sdelay $0x3  }
0x37: {  	[smem:$0x3FB9] =	sst s10  }
0x38: {  	s10 =	sld [smem:$0x3FBA]  }
0x39: {  	_ = 	snop;
	(pc) =	sbr.ind lr, $3  }
0x3a: {  	_ = 	snop  }
0x3b: {  	_ = 	snop  }
0x3c: {  	p2 =	seq.s32 s10, $0x1;
	s10 =	sld [smem:$0x3FB9]  }
0x3d: {  	_ =	shalt  }
0x3e: {  	_ =	shalt  }
0x3f: {  	_ =	shalt  }
0x40: {  	_ =	shalt  }
0x41: {  	_ =	shalt  }
0x42: {  	_ =	shalt  }
0x43: {  	_ =	shalt  }
0x44: {  	_ =	shalt  }
0x45: {  	_ =	shalt  }
0x46: {  	_ =	shalt  }
0x47: {  	_ =	shalt  }
0x48: {  	_ =	shalt  }
0x49: {  	_ =	shalt  }
0x4a: {  	_ =	shalt  }
0x4b: {  	_ =	shalt  }
0x4c: {  	_ =	shalt  }
0x4d: {  	_ =	shalt  }
0x4e: {  	_ =	shalt  }
0x4f: {  	_ =	shalt  }
0x50: {  	_ =	shalt  }
0x51: {  	_ =	shalt  }
0x52: {  	_ =	shalt  }
0x53: {  	_ =	shalt  }
0x54: {  	_ =	shalt  }
0x55: {  	_ =	shalt  }
0x56: {  	_ =	shalt  }
0x57: {  	_ =	shalt  }
0x58: {  	_ =	shalt  }
0x59: {  	_ =	shalt  }
0x5a: {  	_ =	shalt  }
0x5b: {  	_ =	shalt  }
0x5c: {  	_ =	shalt  }
0x5d: {  	_ =	shalt  }
0x5e: {  	_ =	shalt  }
0x5f: {  	_ =	shalt  }
0x60: {  	_ =	shalt  }
0x61: {  	_ =	shalt  }
0x62: {  	_ =	shalt  }
0x63: {  	_ =	shalt  }
0x64: {  	_ =	shalt  }
0x65: {  	_ =	shalt  }
0x66: {  	_ =	shalt  }
0x67: {  	_ =	shalt  }
0x68: {  	_ =	shalt  }
0x69: {  	_ =	shalt  }
0x6a: {  	_ =	shalt  }
0x6b: {  	_ =	shalt  }
0x6c: {  	_ =	shalt  }
0x6d: {  	_ =	shalt  }
0x6e: {  	_ =	shalt  }
0x6f: {  	_ =	shalt  }
0x70: {  	_ =	shalt  }
0x71: {  	_ =	shalt  }
0x72: {  	_ =	shalt  }
0x73: {  	_ =	shalt  }
0x74: {  	_ =	shalt  }
0x75: {  	_ =	shalt  }
0x76: {  	_ =	shalt  }
0x77: {  	_ =	shalt  }
0x78: {  	_ =	shalt  }
0x79: {  	_ =	shalt  }
0x7a: {  	_ =	shalt  }
0x7b: {  	_ =	shalt  }
0x7c: {  	_ =	shalt  }
0x7d: {  	_ =	shalt  }
0x7e: {  	_ =	shalt  }
0x7f: {  	_ =	shalt  }
0x80: {  	_ =	shalt  }
0x81: {  	_ =	shalt  }
0x82: {  	_ =	shalt  }
0x83: {  	_ =	shalt  }
0x84: {  	_ =	shalt  }
0x85: {  	_ =	shalt  }
0x86: {  	_ =	shalt  }
0x87: {  	_ =	shalt  }
.Lfunc_end0:
.L_simem_size_0:
called_computation_lowered:
.L_overlay_start_0:
0x88: {  	s2 =	sld [smem:$0x3FD9]  }
0x89: {  	s3 =	sld [smem:$0x3FFE];
	_ =	sdelay $0x1  }
0x8a: {  	s1 =	srdreg.scid  }
0x8b: {  	s0 =	sand.u32 $0x1, s1  }
0x8c: {  	s17 =	sshll.u32 s0, $0xA;
	s2 =	sadd.s32 s3, s2  }
0x8d: {  	s2 =	sadd.s32 s2, s17  }
0x8e: {  	[smem:$0x3FC5] =	sst s2  }
0x8f: {  	_ = 	snop  }
0x90: {  	s2 =	sld [smem:$0x3FD0];
	(tm) =	ssettm $0x1  }
0x91: {  	s18 =	sld [smem:$0x3FFB];
	_ =	sdelay $0x3  }
0x92: {  	_ =	strace s18  }
0x93: {  	s3 =	sld [smem:$0x3FFC];
	_ =	sdelay $0x3  }
0x94: {  	_ =	strace s3  }
0x95: {  	s3 =	sld [smem:$0x3FFD];
	_ =	sdelay $0x3  }
0x96: {  	_ =	strace s3  }
0x97: {  	_ =	strace $0x8FFFFFFF  }
0x98: {  	s19 =	sld [smem:$0x3FDB];
	_ =	sdelay $0x1  }
0x99: {  	s4 =	simm.s32 $_scs_section_size  }
0x9a: {  	s5 =	simm.s32 $_size__tile_overlayer_lowered;
	s6 =	simm.s32 $_tile_overlayer_lowered  }
0x9b: {  	s22 =	simm.s32 $0x1BFF;
	s21 =	sshll.u32 s6, $0x1;
	s3 =	sadd.s32 s4, s19  }
0x9c: {  	s7 =	simm.s32 $0x0;
	s20 =	sshll.u32 s5, $0x1;
	s5 =	sadd.s32 s21, s3  }
0x9d: {  	[timem:s7], [sflag:s22] =	dma.local [hbm:s5], s20  }
0x9e: {  	_ =	swait.ge [sflag:s22], s20  }
0x9f: {  	s4 =	ssub.s32 $0x0, s20;
	[sflag:s22] =	ssyncset.done $0x0  }
0xa0: {  	[sflag:s22] =	ssyncadd.s32 s4;
	_ =	sdelay $0x1  }
0xa1: {  	s23 =	simm.s32 $0x1B8B  }
0xa2: {  	_ =	swait.ge [sflag:s23], $0x1  }
0xa3: {  	[sflag:s23] =	ssyncset.done $0x0  }
0xa4: {  	s25 =	simm.s32 $0x1B8E;
	s24 =	sld [smem:$0x3FFE];
	[sflag:s23] =	ssyncadd.s32 $0xFFFFFFFF  }
0xa5: {  	s26 =	simm.s32 $execute0_lowered;
	[smem:$0x3FD2] =	sst s25  }
0xa6: {  	s5 =	sshll.u32 s26, $0x1;
	_ =	strace $0x80000046;
	[dreg:$0x1] =	wrdreg $0xFFFFFFFF  }
0xa7: {  	s28 =	simm.s32 $_size_execute0_lowered;
	s3 =	sadd.s32 s3, s5;
	[dreg:$0x0] =	wrdreg $0x0  }
0xa8: {  	s5 =	sshll.u32 s28, $0x1;
	[dreg:$0x2] =	wrdreg s3  }
0xa9: {  	[dreg:$0x3] =	wrdreg s5  }
0xaa: {  	[dreg:$0x4] =	wrdreg $0xC0  }
0xab: {  	_ =	task [dreg:s7], $0x5FFFF  }
0xac: {  	[dreg:$0x1] =	wrdreg $0xFFFFFFFF  }
0xad: {  	[dreg:$0x0] =	wrdreg $0x60  }
0xae: {  	[dreg:$0x2] =	wrdreg s24  }
0xaf: {  	[dreg:$0x3] =	wrdreg s2  }
0xb0: {  	[dreg:$0x4] =	wrdreg $0x9  }
0xb1: {  	_ =	task.clear_ibuf [dreg:s7], $0x5FFFF;
	_ =	strace $0x90000046  }
0xb2: {  	s29 =	simm.s32 $0x9;
	_ =	strace $0x80000048  }
0xb3: {  	_ =	swait.ge [sflag:s29], $0x1  }
0xb4: {  	[sflag:s29] =	ssyncadd.s32 $0xFFFFFFFF  }
0xb5: {  	_ =	strace $0x90000048  }
0xb6: {  	_ =	sfence  }
0xb7: {  	s30 =	sld [smem:$0x0];
	_ =	sdelay $0x2  }
0xb8: {  	s31 =	sshll.u32 s1, $0xD;
	s1 =	sshrl.u32 s1, $0x2  }
0xb9: {  	s3 =	sand.u32 $0x4000, s31;
	s1 =	sadd.s32 s1, s30  }
0xba: {  	s0 =	sor.u32 s3, s0;
	s1 =	sshll.u32 s1, $0x11  }
0xbb: {  	s0 =	sor.u32 s1, s0  }
0xbc: {  	s0 =	sadd.s32 $0x8F2B, s0  }
0xbd: {  	[sflag:s0] =	ssyncadd.remote.s32 $0x1  }
0xbe: {  	_ =	sfence.sel $0xFFFF  }
0xbf: {  	[dreg:$0x0] =	wrdreg $0xFFFFFFFF;
	(pc) =	sbr.abs _section_cstart, $3  }
0xc0: {  	[dreg:$0x1] =	wrdreg $0xFFFFFFFF  }
0xc1: {  	_ =	task.clear_ibuf [dreg:s7], $0x2FFFF;
	_ =	strace $0x9FFFFFFF  }
0xc2: {  	(tm) =	ssettm $0x7FFFFFFF  }
0xc3: {  	_ =	shalt  }
tec
execute0_lowered:
.L_overlay_start_1:
0x0: {  	(tag) =	ssettag $0x1  }
0x1: {  	s1 =	srdreg.scid  }
0x2: {  	s4 =	rddreg [dreg:$0x0];
	s0 =	stileid.u32  }
0x3: {  	s5 =	rddreg [dreg:$0x1];
	s2 =	simm.s32 $0x0;
	s11 =	simm.s32 $0x1  }
0x4: {  	s12 =	simm.s32 $0x0;
	s3 =	sand.u32 $0x1, s1;
	s1 =	rddreg [dreg:$0x2]  }
0x5: {  	s6 =	sshll.u32 s0, $0x9;
	[smem:$0x7FF] =	sst s2;
	s7 =	sshll.u32 s3, $0x8  }
0x6: {  	_ =	strace $0x80000047;
	s8 =	ssub.s32 $0x2, s3;
	s6 =	sor.u32 s7, s6  }
0x7: {  	s3 =	sadd.s32 $0xF42C00, s4;
	s9 =	sshrl.u32 s8, $0x1;
	s7 =	sshrl.u32 s6, $0x3  }
0x8: {  	s6 =	sshll.u32 s6, $0x3;
	s8 =	ssub.s32 s8, s9;
	s9 =	simm.s32 $0x100  }
0x9: {  	s7 =	sadd.s32 s7, s4;
	s10 =	sadd.s32 s6, s4;
	s6 =	sand.u32 $0x3800, s6  }
0xa: {  	s4 =	sadd.s32 $0x800, s7;
	s5 =	sadd.s32 s5, s6;
	s6 =	sadd.s32 $0xC00, s10  }
0xb: {  	s7 =	smax.u32 s8, $0x1;
	s8 =	simm.s32 $0x2;
	s10 =	simm.s32 $0x4100  }
.LBB2_1:
0xc: {  	[tilespmem:s2], [sflag:$0x2] =	stream.linear.gather [hbm4b:s4+s2], $0x100, $0x38;
	[tilespmem:$0x8100] =	vst v63  }
0xd: {  	_ =	swait.ge [sflag:s8], $0x100  }
0xe: {  	[sflag:s8] =	ssyncset.done $0x0  }
0xf: {  	[sflag:s8] =	ssyncadd.s32 $0xFFFFFF00  }
0x10: {  	[tilespmem:s9], [sflag:$0x1] =	stream.indirect.gather [hbm4b:s3+s9], $0x40, s2, s9, $0xb8;
	[tilespmem:$0x8100] =	vst v63  }
0x11: {  	_ = 	snop  }
0x12: {  	[tilespmem:s10], [sflag:$0x2] =	stream.linear.gather [hbm4b:s5+s2], $0x4000, $0x38;
	[tilespmem:$0x8100] =	vst v63  }
0x13: {  	_ =	swait.ge [sflag:s8], $0x4000  }
0x14: {  	[sflag:s8] =	ssyncset.done $0x0  }
0x15: {  	[sflag:s8] =	ssyncadd.s32 $0xFFFFC000  }
0x16: {  	_ =	swait.ge [sflag:s11], $0x4000  }
0x17: {  	[sflag:s11] =	ssyncset.done $0x0  }
0x18: {  	s13 =	simm.s32 $0x0;
	[sflag:s11] =	ssyncadd.s32 $0xFFFFC000  }
0x19: {  	v5 =	vld [tilespmem:s13+$0x4100]  }
0x1a: {  	v6 =	vld [tilespmem:s13+$0x4110]  }
0x1b: {  	v1 =	vld [tilespmem:s13+$0x4120]  }
0x1c: {  	v0 =	vld [tilespmem:s13+$0x4130]  }
0x1d: {  	v2 =	vld [tilespmem:s13+$0x100]  }
0x1e: {  	v4 =	vld [tilespmem:s13+$0x110]  }
0x1f: {  	s14 =	simm.s32 $0x100;
	v3 =	vld [tilespmem:s13+$0x120]  }
.LBB2_2:
0x20: {  	s15 =	sshra.s32 s14, $0x2;
	p0 =	sne.s32 s14, $0xFF00;
	v7 =	vld [tilespmem:s13+$0x130];
	v8 =	vmov v1  }
0x21: {  	v9 =	vld [tilespmem:s15+$0x4100];
	v10 =	vmov v0  }
0x22: {  	v11 =	vld [tilespmem:s15+$0x4110];
	v2 =	vadd.f32 v5, v2  }
.Ltmp0:
0x23: {  	v1 =	vld [tilespmem:s15+$0x4120];
	v4 =	vadd.f32 v6, v4;
	(pc) =	sbr.rel @p0 .LBB2_2-.Ltmp0, $4  }
0x24: {  	v0 =	vld [tilespmem:s15+$0x4130];
	[tilespmem:s13+$0x100] =	vst v2;
	v3 =	vadd.f32 v8, v3  }
0x25: {  	v2 =	vld [tilespmem:s15+$0x100];
	[tilespmem:s13+$0x110] =	vst v4;
	v7 =	vadd.f32 v10, v7  }
0x26: {  	v4 =	vld [tilespmem:s15+$0x110];
	[tilespmem:s13+$0x120] =	vst v3;
	v5 =	vmov v9  }
0x27: {  	s14 =	sadd.s32 $0x100, s14;
	v3 =	vld [tilespmem:s15+$0x120];
	[tilespmem:s13+$0x130] =	vst v7;
	v6 =	vmov v11;
	s13 =	smov.u32 s15  }
0x28: {  	v7 =	vld [tilespmem:s13+$0x130];
	_ =	sdelay $0x1  }
0x29: {  	v2 =	vadd.f32 v5, v2  }
0x2a: {  	v4 =	vadd.f32 v6, v4  }
0x2b: {  	[tilespmem:s13+$0x100] =	vst v2;
	v1 =	vadd.f32 v1, v3  }
0x2c: {  	s12 =	sadd.s32 $0x1, s12;
	[tilespmem:s13+$0x110] =	vst v4;
	v0 =	vadd.f32 v0, v7  }
0x2d: {  	p0 =	sne.s32 s12, s7;
	[tilespmem:s13+$0x120] =	vst v1  }
.Ltmp1:
0x2e: {  	[tilespmem:s13+$0x130] =	vst v0;
	(pc) =	sbr.rel @p0 .LBB2_1-.Ltmp1, $4  }
0x2f: {  	[hbm4b:s6+s2] =	stream.linear.scatter [tilespmem:s9], [sflag:$0x2], $0x4000, $0x38;
	[tilespmem:$0x8100] =	vst v63  }
0x30: {  	_ =	swait.ge [sflag:s8], $0x4000  }
0x31: {  	[sflag:s8] =	ssyncset.done $0x0  }
0x32: {  	[sflag:s8] =	ssyncadd.s32 $0xFFFFC000  }
0x33: {  	_ =	sfence.sel $0x180000  }
0x34: {  	[bflag:$0x0] =	sbarrier.arrive $0xFFFF  }
0x35: {  	p0 =	sne.s32 s0, $0x0;
	_ =	strace $0x90000047  }
0x36: {  	s0 =	sadd.s32 @!p0 $0x100000, s1;
	[bflag:$0x2] =	sbarrier.arrive $0xFFFF  }
0x37: {  	[sflag:s0] =	ssyncadd.tile.s32 @!p0 $0x1;
	_ =	shalt  }
.Lfunc_end2:
_tile_overlayer_lowered:
.L_overlay_start_2:
0x38: {  	(tag) =	ssettag $0x2  }
0x39: {  	s0 =	rddreg [dreg:$0x0];
	s2 =	stileid.u32  }
0x3a: {  	s1 =	rddreg [dreg:$0x1];
	p0 =	sne.s32 s2, $0x0  }
0x3b: {  	s3 =	rddreg [dreg:$0x2];
	[bflag:$0x3] =	sbarrier.arrive $0xFFFF;
	s2 =	simm.s32 @!p0 $0x1C02  }
0x3c: {  	[timem:s3], [sflag:s2] =	dma.local @!p0 [hbm:s0], s1  }
0x3d: {  	s0 =	simm.s32 @!p0 $0x2  }
0x3e: {  	_ =	swait.ge @!p0 [sflag:s0], s1  }
0x3f: {  	s1 =	ssub.s32 @!p0 $0x0, s1;
	[sflag:s0] =	ssyncset.done @!p0 $0x0  }
0x40: {  	[sflag:s0] =	ssyncadd.s32 @!p0 s1  }
0x41: {  	[bflag:$0x3] =	sbarrier.arrive $0xFFFF  }
0x42: {  	_ =	shalt  }

</sc_bundles>
